<compile_context>
chip_gen: v7x
topology: tpu7x:2x2x1
jax: 0.10.2.dev20260603
libtpu: 0.0.44.dev20260713+nightly
codegen_flags: <defaults>
</compile_context>

<pallas_src>
import jax
import jax.numpy as jnp
from jax import lax
from jax.experimental import pallas as pl
from jax.experimental.pallas import tpu as pltpu
from jax.experimental.pallas import tpu_sc as plsc

TIME_DIM = 64
HOUR_SIZE = 24
DAY_SIZE = 32
MONTH_SIZE = 13
BATCH = 16384

NC = 2
NS = 16
L = 16
NW = NC * NS
B_PER_W = BATCH // NW
N_CHUNKS = B_PER_W // L

HOUR_OFF = 0
DAY_OFF = HOUR_SIZE * TIME_DIM
MONTH_OFF = DAY_OFF + DAY_SIZE * TIME_DIM
TABLE_WORDS = MONTH_OFF + MONTH_SIZE * TIME_DIM


def _body(x_hbm, tab_hbm, out_hbm, xv, tv, ov, ah, ad, am, sem):
    wid = lax.axis_index("s") * NC + lax.axis_index("c")
    base = wid * B_PER_W

    cp_x = pltpu.async_copy(x_hbm.at[pl.ds(base * 3, B_PER_W * 3)], xv, sem)
    cp_t = pltpu.async_copy(tab_hbm, tv, sem)
    for cp in (cp_x, cp_t):
        cp.wait()

    lane = lax.iota(jnp.int32, L)
    lane3 = lane * 3

    @plsc.parallel_loop(0, N_CHUNKS, unroll=2)
    def _chunk(c):
        b0 = c * (L * 3)
        vm = plsc.load_gather(xv, [lane3 + b0])
        vd = plsc.load_gather(xv, [lane3 + (b0 + 1)])
        vh = plsc.load_gather(xv, [lane3 + (b0 + 2)])
        sl = pl.ds(c * L, L)
        ah[sl] = (vh * HOUR_SIZE).astype(jnp.int32) * TIME_DIM + HOUR_OFF
        ad[sl] = (vd * DAY_SIZE).astype(jnp.int32) * TIME_DIM + DAY_OFF
        am[sl] = (vm * MONTH_SIZE).astype(jnp.int32) * TIME_DIM + MONTH_OFF

    @plsc.parallel_loop(0, B_PER_W, unroll=2)
    def _row(r):
        rv = jnp.full((L,), 0, jnp.int32) + r
        hb = plsc.load_gather(ah, [rv]) + lane
        db = plsc.load_gather(ad, [rv]) + lane
        mb = plsc.load_gather(am, [rv]) + lane
        for g in range(TIME_DIM // L):
            va = plsc.load_gather(tv, [hb + g * L])
            vb = plsc.load_gather(tv, [db + g * L])
            vc = plsc.load_gather(tv, [mb + g * L])
            ov[r, pl.ds(g * L, L)] = (va + vb) + vc

    pltpu.sync_copy(ov, out_hbm.at[pl.ds(base, B_PER_W)])


@jax.jit
def kernel(x, hour_table, day_table, month_table):
    run = pl.kernel(
        _body,
        out_type=jax.ShapeDtypeStruct((BATCH, TIME_DIM), jnp.float32),
        mesh=plsc.VectorSubcoreMesh(
            core_axis_name="c", subcore_axis_name="s",
            num_cores=NC, num_subcores=NS),
        scratch_types=[
            pltpu.VMEM((B_PER_W * 3,), jnp.float32),
            pltpu.VMEM((TABLE_WORDS,), jnp.float32),
            pltpu.VMEM((B_PER_W, TIME_DIM), jnp.float32),
            pltpu.VMEM((B_PER_W,), jnp.int32),
            pltpu.VMEM((B_PER_W,), jnp.int32),
            pltpu.VMEM((B_PER_W,), jnp.int32),
            pltpu.SemaphoreType.DMA,
        ],
        compiler_params=pltpu.CompilerParams(
            needs_layout_passes=False, use_tc_tiling_on_sc=False,
            disable_bounds_checks=True, disable_semaphore_checks=True,
            skip_device_barrier=True),
    )
    tab = jnp.concatenate(
        [hour_table.reshape(-1), day_table.reshape(-1),
         month_table.reshape(-1)])
    return run(x.reshape(-1), tab)

# --- scband reference (transcript-rebuilt; emitter-appended) ---
"""Pipeline reference for scband-temporal-embedding-54065048322762 (READ-ONLY COPY).

The authoritative reference and input builder live on the scoring server;
editing this copy changes nothing except your own understanding.
"""

import jax, jax.numpy as jnp
import numpy as np

TIME_DIM = 64
HOUR_SIZE = 24
DAY_SIZE = 32
MONTH_SIZE = 13
BATCH = 16384


def setup_inputs(seed: int = 0) -> dict:
    key = jax.random.key(seed)
    k_x, k_h, k_d, k_m = jax.random.split(key, 4)
    x = jax.random.uniform(k_x, (BATCH, 3), dtype=jnp.float32)
    hour_table = jax.random.normal(k_h, (HOUR_SIZE, TIME_DIM), dtype=jnp.float32)
    day_table = jax.random.normal(k_d, (DAY_SIZE, TIME_DIM), dtype=jnp.float32)
    month_table = jax.random.normal(k_m, (MONTH_SIZE, TIME_DIM), dtype=jnp.float32)
    return {"x": x, "hour_table": hour_table, "day_table": day_table, "month_table": month_table}


def reference(x, hour_table, day_table, month_table):
    # x: float32[B, f] with f == 3; values in [0, 1)
    # torch .long() truncates toward zero == floor for non-negative inputs
    hour_idx = (x[..., 2] * HOUR_SIZE).astype(jnp.int32)
    day_idx = (x[..., 1] * DAY_SIZE).astype(jnp.int32)
    month_idx = (x[..., 0] * MONTH_SIZE).astype(jnp.int32)
    hour_x = jnp.take(hour_table, hour_idx, axis=0)
    day_x = jnp.take(day_table, day_idx, axis=0)
    month_x = jnp.take(month_table, month_idx, axis=0)
    return hour_x + day_x + month_x

if __name__ == "__main__":
    import jax
    _d = setup_inputs()
    print(jax.jit(kernel)(*tuple(_d.values())))

</pallas_src>

<mosaic_0001>
#map = affine_map<(d0, d1) -> (0)>
#map1 = affine_map<(d0, d1) -> (0, 0)>
module attributes {stable_mosaic.version = 14 : i64} {
  func.func @_body(%arg0: i32, %arg1: i32, %arg2: memref<49152xf32, #tpu.memory_space<hbm>>, %arg3: memref<4416xf32, #tpu.memory_space<hbm>>, %arg4: memref<16384x64xf32, #tpu.memory_space<hbm>>, %arg5: memref<1536xf32, #tpu.memory_space<vmem>>, %arg6: memref<4416xf32, #tpu.memory_space<vmem>>, %arg7: memref<512x64xf32, #tpu.memory_space<vmem>>, %arg8: memref<512xi32, #tpu.memory_space<vmem>>, %arg9: memref<512xi32, #tpu.memory_space<vmem>>, %arg10: memref<512xi32, #tpu.memory_space<vmem>>, %arg11: memref<!tpu.dma_semaphore, #tpu.memory_space<semaphore_mem>>) attributes {dimension_semantics = [#tpu.dimension_semantics<core_parallel>, #tpu.dimension_semantics<subcore_parallel>], iteration_bounds = array<i64: 2, 16>, scalar_prefetch = 0 : i64, scratch_operands = 7 : i64, tpu.core_type = #tpu.core_type<sc_vector_subcore>, window_params = [{transform_indices = #map}, {transform_indices = #map}, {transform_indices = #map1}]} {
    %mul3A = arith.constant 2 : i32
    %mul3A_0 = arith.muli %arg1, %mul3A : i32
    %add3A = arith.addi %mul3A_0, %arg0 : i32
    %mul3A_1 = arith.constant 512 : i32
    %mul3A_2 = arith.muli %add3A, %mul3A_1 : i32
    %mul3A_3 = arith.constant 3 : i32
    %mul3A_4 = arith.muli %mul3A_2, %mul3A_3 : i32
    %dma_start3A = tpu.memref_slice %arg2[%mul3A_4] : memref<49152xf32, #tpu.memory_space<hbm>> -> memref<1536xf32, #tpu.memory_space<hbm>>
    %dma_start3A_5 = tpu.memref_slice %arg2[%mul3A_4] : memref<49152xf32, #tpu.memory_space<hbm>> -> memref<1536xf32, #tpu.memory_space<hbm>>
    tpu.enqueue_dma source(%dma_start3A_5 : memref<1536xf32, #tpu.memory_space<hbm>>) target(%arg5 : memref<1536xf32, #tpu.memory_space<vmem>>) target_semaphore(%arg11 : memref<!tpu.dma_semaphore, #tpu.memory_space<semaphore_mem>>)
    tpu.enqueue_dma source(%arg3 : memref<4416xf32, #tpu.memory_space<hbm>>) target(%arg6 : memref<4416xf32, #tpu.memory_space<vmem>>) target_semaphore(%arg11 : memref<!tpu.dma_semaphore, #tpu.memory_space<semaphore_mem>>)
    %dma_wait3A = tpu.memref_slice %arg2[%mul3A_4] : memref<49152xf32, #tpu.memory_space<hbm>> -> memref<1536xf32, #tpu.memory_space<hbm>>
    %dma_wait3A_6 = tpu.memref_slice %arg2[%mul3A_4] : memref<49152xf32, #tpu.memory_space<hbm>> -> memref<1536xf32, #tpu.memory_space<hbm>>
    tpu.wait_dma2 semaphore(%arg11 : memref<!tpu.dma_semaphore, #tpu.memory_space<semaphore_mem>>) src(%dma_wait3A_6 : memref<1536xf32, #tpu.memory_space<hbm>>) dst(%arg5 : memref<1536xf32, #tpu.memory_space<vmem>>)
    tpu.wait_dma2 semaphore(%arg11 : memref<!tpu.dma_semaphore, #tpu.memory_space<semaphore_mem>>) src(%arg3 : memref<4416xf32, #tpu.memory_space<hbm>>) dst(%arg6 : memref<4416xf32, #tpu.memory_space<vmem>>)
    %iota3A = tpu.iota {dimensions = array<i32: 0>} : vector<16xi32>
    %mul3A_7 = arith.constant 3 : i32
    %mul3A_8 = vector.broadcast %mul3A_7 : i32 to vector<16xi32>
    %mul3A_9 = arith.muli %iota3A, %mul3A_8 : vector<16xi32>
    %parallel_loop3A = arith.constant 0 : i32
    %parallel_loop3A_10 = arith.constant 32 : i32
    %parallel_loop3A_11 = arith.constant 1 : i32
    scf.for %parallel_loop3A_15 = %parallel_loop3A to %parallel_loop3A_10 step %parallel_loop3A_11  : i32 {
      %parallel_loop3A_16 = arith.constant 48 : i32
      %parallel_loop3A_17 = arith.muli %parallel_loop3A_15, %parallel_loop3A_16 : i32
      %parallel_loop3A_18 = vector.broadcast %parallel_loop3A_17 : i32 to vector<16xi32>
      %parallel_loop3A_19 = arith.addi %mul3A_9, %parallel_loop3A_18 : vector<16xi32>
      %parallel_loop3A_20 = tpu.vector_load_idx %arg5[%parallel_loop3A_19] : memref<1536xf32, #tpu.memory_space<vmem>>[vector<16xi32>], vector<16xf32>,
      %parallel_loop3A_21 = arith.constant 1 : i32
      %parallel_loop3A_22 = arith.addi %parallel_loop3A_17, %parallel_loop3A_21 : i32
      %parallel_loop3A_23 = vector.broadcast %parallel_loop3A_22 : i32 to vector<16xi32>
      %parallel_loop3A_24 = arith.addi %mul3A_9, %parallel_loop3A_23 : vector<16xi32>
      %parallel_loop3A_25 = tpu.vector_load_idx %arg5[%parallel_loop3A_24] : memref<1536xf32, #tpu.memory_space<vmem>>[vector<16xi32>], vector<16xf32>,
      %parallel_loop3A_26 = arith.constant 2 : i32
      %parallel_loop3A_27 = arith.addi %parallel_loop3A_17, %parallel_loop3A_26 : i32
      %parallel_loop3A_28 = vector.broadcast %parallel_loop3A_27 : i32 to vector<16xi32>
      %parallel_loop3A_29 = arith.addi %mul3A_9, %parallel_loop3A_28 : vector<16xi32>
      %parallel_loop3A_30 = tpu.vector_load_idx %arg5[%parallel_loop3A_29] : memref<1536xf32, #tpu.memory_space<vmem>>[vector<16xi32>], vector<16xf32>,
      %parallel_loop3A_31 = arith.constant 16 : i32
      %parallel_loop3A_32 = arith.muli %parallel_loop3A_15, %parallel_loop3A_31 : i32
      %parallel_loop3A_33 = arith.constant 2.400000e+01 : f32
      %parallel_loop3A_34 = vector.broadcast %parallel_loop3A_33 : f32 to vector<16xf32>
      %parallel_loop3A_35 = arith.mulf %parallel_loop3A_30, %parallel_loop3A_34 : vector<16xf32>
      %parallel_loop3A_36 = arith.fptosi %parallel_loop3A_35 : vector<16xf32> to vector<16xi32>
      %parallel_loop3A_37 = arith.constant 64 : i32
      %parallel_loop3A_38 = vector.broadcast %parallel_loop3A_37 : i32 to vector<16xi32>
      %parallel_loop3A_39 = arith.muli %parallel_loop3A_36, %parallel_loop3A_38 : vector<16xi32>
      %parallel_loop3A_40 = arith.constant 0 : i32
      %parallel_loop3A_41 = vector.broadcast %parallel_loop3A_40 : i32 to vector<16xi32>
      %parallel_loop3A_42 = arith.addi %parallel_loop3A_39, %parallel_loop3A_41 : vector<16xi32>
      %parallel_loop3A_43 = arith.index_cast %parallel_loop3A_32 : i32 to index
      %parallel_loop3A_44 = tpu.vector_load %arg8[%parallel_loop3A_43] {strides = array<i32>} : memref<512xi32, #tpu.memory_space<vmem>>, vector<16xi32>,
      tpu.vector_store %arg8[%parallel_loop3A_43], %parallel_loop3A_42 {strides = array<i32>} : memref<512xi32, #tpu.memory_space<vmem>>, vector<16xi32>,
      %parallel_loop3A_45 = arith.constant 3.200000e+01 : f32
      %parallel_loop3A_46 = vector.broadcast %parallel_loop3A_45 : f32 to vector<16xf32>
      %parallel_loop3A_47 = arith.mulf %parallel_loop3A_25, %parallel_loop3A_46 : vector<16xf32>
      %parallel_loop3A_48 = arith.fptosi %parallel_loop3A_47 : vector<16xf32> to vector<16xi32>
      %parallel_loop3A_49 = arith.constant 64 : i32
      %parallel_loop3A_50 = vector.broadcast %parallel_loop3A_49 : i32 to vector<16xi32>
      %parallel_loop3A_51 = arith.muli %parallel_loop3A_48, %parallel_loop3A_50 : vector<16xi32>
      %parallel_loop3A_52 = arith.constant 1536 : i32
      %parallel_loop3A_53 = vector.broadcast %parallel_loop3A_52 : i32 to vector<16xi32>
      %parallel_loop3A_54 = arith.addi %parallel_loop3A_51, %parallel_loop3A_53 : vector<16xi32>
      %parallel_loop3A_55 = arith.index_cast %parallel_loop3A_32 : i32 to index
      %parallel_loop3A_56 = tpu.vector_load %arg9[%parallel_loop3A_55] {strides = array<i32>} : memref<512xi32, #tpu.memory_space<vmem>>, vector<16xi32>,
      tpu.vector_store %arg9[%parallel_loop3A_55], %parallel_loop3A_54 {strides = array<i32>} : memref<512xi32, #tpu.memory_space<vmem>>, vector<16xi32>,
      %parallel_loop3A_57 = arith.constant 1.300000e+01 : f32
      %parallel_loop3A_58 = vector.broadcast %parallel_loop3A_57 : f32 to vector<16xf32>
      %parallel_loop3A_59 = arith.mulf %parallel_loop3A_20, %parallel_loop3A_58 : vector<16xf32>
      %parallel_loop3A_60 = arith.fptosi %parallel_loop3A_59 : vector<16xf32> to vector<16xi32>
      %parallel_loop3A_61 = arith.constant 64 : i32
      %parallel_loop3A_62 = vector.broadcast %parallel_loop3A_61 : i32 to vector<16xi32>
      %parallel_loop3A_63 = arith.muli %parallel_loop3A_60, %parallel_loop3A_62 : vector<16xi32>
      %parallel_loop3A_64 = arith.constant 3584 : i32
      %parallel_loop3A_65 = vector.broadcast %parallel_loop3A_64 : i32 to vector<16xi32>
      %parallel_loop3A_66 = arith.addi %parallel_loop3A_63, %parallel_loop3A_65 : vector<16xi32>
      %parallel_loop3A_67 = arith.index_cast %parallel_loop3A_32 : i32 to index
      %parallel_loop3A_68 = tpu.vector_load %arg10[%parallel_loop3A_67] {strides = array<i32>} : memref<512xi32, #tpu.memory_space<vmem>>, vector<16xi32>,
      tpu.vector_store %arg10[%parallel_loop3A_67], %parallel_loop3A_66 {strides = array<i32>} : memref<512xi32, #tpu.memory_space<vmem>>, vector<16xi32>,
    } {sc.loop_unroll_factor = 2 : i64, sc.parallel_access}
    %parallel_loop3A_12 = arith.constant 0 : i32
    %parallel_loop3A_13 = arith.constant 512 : i32
    %parallel_loop3A_14 = arith.constant 1 : i32
    scf.for %parallel_loop3A_15 = %parallel_loop3A_12 to %parallel_loop3A_13 step %parallel_loop3A_14  : i32 {
      %parallel_loop3A_16 = arith.constant 0 : i32
      %parallel_loop3A_17 = vector.broadcast %parallel_loop3A_16 : i32 to vector<16xi32>
      %parallel_loop3A_18 = vector.broadcast %parallel_loop3A_15 : i32 to vector<16xi32>
      %parallel_loop3A_19 = arith.addi %parallel_loop3A_17, %parallel_loop3A_18 : vector<16xi32>
      %parallel_loop3A_20 = tpu.vector_load_idx %arg8[%parallel_loop3A_19] : memref<512xi32, #tpu.memory_space<vmem>>[vector<16xi32>], vector<16xi32>,
      %parallel_loop3A_21 = arith.addi %parallel_loop3A_20, %iota3A : vector<16xi32>
      %parallel_loop3A_22 = tpu.vector_load_idx %arg9[%parallel_loop3A_19] : memref<512xi32, #tpu.memory_space<vmem>>[vector<16xi32>], vector<16xi32>,
      %parallel_loop3A_23 = arith.addi %parallel_loop3A_22, %iota3A : vector<16xi32>
      %parallel_loop3A_24 = tpu.vector_load_idx %arg10[%parallel_loop3A_19] : memref<512xi32, #tpu.memory_space<vmem>>[vector<16xi32>], vector<16xi32>,
      %parallel_loop3A_25 = arith.addi %parallel_loop3A_24, %iota3A : vector<16xi32>
      %parallel_loop3A_26 = arith.constant 0 : i32
      %parallel_loop3A_27 = vector.broadcast %parallel_loop3A_26 : i32 to vector<16xi32>
      %parallel_loop3A_28 = arith.addi %parallel_loop3A_21, %parallel_loop3A_27 : vector<16xi32>
      %parallel_loop3A_29 = tpu.vector_load_idx %arg6[%parallel_loop3A_28] : memref<4416xf32, #tpu.memory_space<vmem>>[vector<16xi32>], vector<16xf32>,
      %parallel_loop3A_30 = arith.constant 0 : i32
      %parallel_loop3A_31 = vector.broadcast %parallel_loop3A_30 : i32 to vector<16xi32>
      %parallel_loop3A_32 = arith.addi %parallel_loop3A_23, %parallel_loop3A_31 : vector<16xi32>
      %parallel_loop3A_33 = tpu.vector_load_idx %arg6[%parallel_loop3A_32] : memref<4416xf32, #tpu.memory_space<vmem>>[vector<16xi32>], vector<16xf32>,
      %parallel_loop3A_34 = arith.constant 0 : i32
      %parallel_loop3A_35 = vector.broadcast %parallel_loop3A_34 : i32 to vector<16xi32>
      %parallel_loop3A_36 = arith.addi %parallel_loop3A_25, %parallel_loop3A_35 : vector<16xi32>
      %parallel_loop3A_37 = tpu.vector_load_idx %arg6[%parallel_loop3A_36] : memref<4416xf32, #tpu.memory_space<vmem>>[vector<16xi32>], vector<16xf32>,
      %parallel_loop3A_38 = arith.addf %parallel_loop3A_29, %parallel_loop3A_33 : vector<16xf32>
      %parallel_loop3A_39 = arith.addf %parallel_loop3A_38, %parallel_loop3A_37 : vector<16xf32>
      %parallel_loop3A_40 = arith.index_cast %parallel_loop3A_15 : i32 to index
      %parallel_loop3A_41 = arith.constant 0 : index
      %parallel_loop3A_42 = tpu.vector_load %arg7[%parallel_loop3A_40, %parallel_loop3A_41] {strides = array<i32>} : memref<512x64xf32, #tpu.memory_space<vmem>>, vector<16xf32>,
      tpu.vector_store %arg7[%parallel_loop3A_40, %parallel_loop3A_41], %parallel_loop3A_39 {strides = array<i32>} : memref<512x64xf32, #tpu.memory_space<vmem>>, vector<16xf32>,
      %parallel_loop3A_43 = arith.constant 16 : i32
      %parallel_loop3A_44 = vector.broadcast %parallel_loop3A_43 : i32 to vector<16xi32>
      %parallel_loop3A_45 = arith.addi %parallel_loop3A_21, %parallel_loop3A_44 : vector<16xi32>
      %parallel_loop3A_46 = tpu.vector_load_idx %arg6[%parallel_loop3A_45] : memref<4416xf32, #tpu.memory_space<vmem>>[vector<16xi32>], vector<16xf32>,
      %parallel_loop3A_47 = arith.constant 16 : i32
      %parallel_loop3A_48 = vector.broadcast %parallel_loop3A_47 : i32 to vector<16xi32>
      %parallel_loop3A_49 = arith.addi %parallel_loop3A_23, %parallel_loop3A_48 : vector<16xi32>
      %parallel_loop3A_50 = tpu.vector_load_idx %arg6[%parallel_loop3A_49] : memref<4416xf32, #tpu.memory_space<vmem>>[vector<16xi32>], vector<16xf32>,
      %parallel_loop3A_51 = arith.constant 16 : i32
      %parallel_loop3A_52 = vector.broadcast %parallel_loop3A_51 : i32 to vector<16xi32>
      %parallel_loop3A_53 = arith.addi %parallel_loop3A_25, %parallel_loop3A_52 : vector<16xi32>
      %parallel_loop3A_54 = tpu.vector_load_idx %arg6[%parallel_loop3A_53] : memref<4416xf32, #tpu.memory_space<vmem>>[vector<16xi32>], vector<16xf32>,
      %parallel_loop3A_55 = arith.addf %parallel_loop3A_46, %parallel_loop3A_50 : vector<16xf32>
      %parallel_loop3A_56 = arith.addf %parallel_loop3A_55, %parallel_loop3A_54 : vector<16xf32>
      %parallel_loop3A_57 = arith.index_cast %parallel_loop3A_15 : i32 to index
      %parallel_loop3A_58 = arith.constant 16 : index
      %parallel_loop3A_59 = tpu.vector_load %arg7[%parallel_loop3A_57, %parallel_loop3A_58] {strides = array<i32>} : memref<512x64xf32, #tpu.memory_space<vmem>>, vector<16xf32>,
      tpu.vector_store %arg7[%parallel_loop3A_57, %parallel_loop3A_58], %parallel_loop3A_56 {strides = array<i32>} : memref<512x64xf32, #tpu.memory_space<vmem>>, vector<16xf32>,
      %parallel_loop3A_60 = arith.constant 32 : i32
      %parallel_loop3A_61 = vector.broadcast %parallel_loop3A_60 : i32 to vector<16xi32>
      %parallel_loop3A_62 = arith.addi %parallel_loop3A_21, %parallel_loop3A_61 : vector<16xi32>
      %parallel_loop3A_63 = tpu.vector_load_idx %arg6[%parallel_loop3A_62] : memref<4416xf32, #tpu.memory_space<vmem>>[vector<16xi32>], vector<16xf32>,
      %parallel_loop3A_64 = arith.constant 32 : i32
      %parallel_loop3A_65 = vector.broadcast %parallel_loop3A_64 : i32 to vector<16xi32>
      %parallel_loop3A_66 = arith.addi %parallel_loop3A_23, %parallel_loop3A_65 : vector<16xi32>
      %parallel_loop3A_67 = tpu.vector_load_idx %arg6[%parallel_loop3A_66] : memref<4416xf32, #tpu.memory_space<vmem>>[vector<16xi32>], vector<16xf32>,
      %parallel_loop3A_68 = arith.constant 32 : i32
      %parallel_loop3A_69 = vector.broadcast %parallel_loop3A_68 : i32 to vector<16xi32>
      %parallel_loop3A_70 = arith.addi %parallel_loop3A_25, %parallel_loop3A_69 : vector<16xi32>
      %parallel_loop3A_71 = tpu.vector_load_idx %arg6[%parallel_loop3A_70] : memref<4416xf32, #tpu.memory_space<vmem>>[vector<16xi32>], vector<16xf32>,
      %parallel_loop3A_72 = arith.addf %parallel_loop3A_63, %parallel_loop3A_67 : vector<16xf32>
      %parallel_loop3A_73 = arith.addf %parallel_loop3A_72, %parallel_loop3A_71 : vector<16xf32>
      %parallel_loop3A_74 = arith.index_cast %parallel_loop3A_15 : i32 to index
      %parallel_loop3A_75 = arith.constant 32 : index
      %parallel_loop3A_76 = tpu.vector_load %arg7[%parallel_loop3A_74, %parallel_loop3A_75] {strides = array<i32>} : memref<512x64xf32, #tpu.memory_space<vmem>>, vector<16xf32>,
      tpu.vector_store %arg7[%parallel_loop3A_74, %parallel_loop3A_75], %parallel_loop3A_73 {strides = array<i32>} : memref<512x64xf32, #tpu.memory_space<vmem>>, vector<16xf32>,
      %parallel_loop3A_77 = arith.constant 48 : i32
      %parallel_loop3A_78 = vector.broadcast %parallel_loop3A_77 : i32 to vector<16xi32>
      %parallel_loop3A_79 = arith.addi %parallel_loop3A_21, %parallel_loop3A_78 : vector<16xi32>
      %parallel_loop3A_80 = tpu.vector_load_idx %arg6[%parallel_loop3A_79] : memref<4416xf32, #tpu.memory_space<vmem>>[vector<16xi32>], vector<16xf32>,
      %parallel_loop3A_81 = arith.constant 48 : i32
      %parallel_loop3A_82 = vector.broadcast %parallel_loop3A_81 : i32 to vector<16xi32>
      %parallel_loop3A_83 = arith.addi %parallel_loop3A_23, %parallel_loop3A_82 : vector<16xi32>
      %parallel_loop3A_84 = tpu.vector_load_idx %arg6[%parallel_loop3A_83] : memref<4416xf32, #tpu.memory_space<vmem>>[vector<16xi32>], vector<16xf32>,
      %parallel_loop3A_85 = arith.constant 48 : i32
      %parallel_loop3A_86 = vector.broadcast %parallel_loop3A_85 : i32 to vector<16xi32>
      %parallel_loop3A_87 = arith.addi %parallel_loop3A_25, %parallel_loop3A_86 : vector<16xi32>
      %parallel_loop3A_88 = tpu.vector_load_idx %arg6[%parallel_loop3A_87] : memref<4416xf32, #tpu.memory_space<vmem>>[vector<16xi32>], vector<16xf32>,
      %parallel_loop3A_89 = arith.addf %parallel_loop3A_80, %parallel_loop3A_84 : vector<16xf32>
      %parallel_loop3A_90 = arith.addf %parallel_loop3A_89, %parallel_loop3A_88 : vector<16xf32>
      %parallel_loop3A_91 = arith.index_cast %parallel_loop3A_15 : i32 to index
      %parallel_loop3A_92 = arith.constant 48 : index
      %parallel_loop3A_93 = tpu.vector_load %arg7[%parallel_loop3A_91, %parallel_loop3A_92] {strides = array<i32>} : memref<512x64xf32, #tpu.memory_space<vmem>>, vector<16xf32>,
      tpu.vector_store %arg7[%parallel_loop3A_91, %parallel_loop3A_92], %parallel_loop3A_90 {strides = array<i32>} : memref<512x64xf32, #tpu.memory_space<vmem>>, vector<16xf32>,
    } {sc.loop_unroll_factor = 2 : i64, sc.parallel_access}
    "tpu.region"() ({
      %run_scoped3A = tpu.sem_alloc : memref<!tpu.dma_semaphore, #tpu.memory_space<semaphore_mem>>
      %dma_start3A_15 = arith.constant 0 : i32
      %dma_start3A_16 = tpu.memref_slice %arg4[%mul3A_2, %dma_start3A_15] : memref<16384x64xf32, #tpu.memory_space<hbm>> -> memref<512x64xf32, #tpu.memory_space<hbm>>
      %dma_start3A_17 = arith.constant 0 : i32
      %dma_start3A_18 = tpu.memref_slice %arg4[%mul3A_2, %dma_start3A_17] : memref<16384x64xf32, #tpu.memory_space<hbm>> -> memref<512x64xf32, #tpu.memory_space<hbm>>
      tpu.enqueue_dma source(%arg7 : memref<512x64xf32, #tpu.memory_space<vmem>>) target(%dma_start3A_18 : memref<512x64xf32, #tpu.memory_space<hbm>>) target_semaphore(%run_scoped3A : memref<!tpu.dma_semaphore, #tpu.memory_space<semaphore_mem>>)
      %dma_wait3A_19 = arith.constant 0 : i32
      %dma_wait3A_20 = tpu.memref_slice %arg4[%mul3A_2, %dma_wait3A_19] : memref<16384x64xf32, #tpu.memory_space<hbm>> -> memref<512x64xf32, #tpu.memory_space<hbm>>
      %dma_wait3A_21 = arith.constant 0 : i32
      %dma_wait3A_22 = tpu.memref_slice %arg4[%mul3A_2, %dma_wait3A_21] : memref<16384x64xf32, #tpu.memory_space<hbm>> -> memref<512x64xf32, #tpu.memory_space<hbm>>
      tpu.wait_dma2 semaphore(%run_scoped3A : memref<!tpu.dma_semaphore, #tpu.memory_space<semaphore_mem>>) src(%arg7 : memref<512x64xf32, #tpu.memory_space<vmem>>) dst(%dma_wait3A_22 : memref<512x64xf32, #tpu.memory_space<hbm>>)
      tpu.yield
    }) : () -> ()
    return
  }
}

</mosaic_0001>

<sc_bundles>
// kernel: kernel.3.cloned.1.call-start
scs
__scs_entry_jumppad:
0x0: {  	(pc) =	sbr.rel $0x88, $3  }
0x1: {  	(tag) =	ssettag $0x0;
	lr =	simm.s32 $0x1  }
0x2: {  	[smem:$0x3F9D] =	sst lr;
	_ =	strace $0xD0000000  }
0x3: {  	_ = 	snop  }
0x4: {  	_ = 	snop  }
0x5: {  	_ = 	snop  }
0x6: {  	_ = 	snop  }
0x7: {  	_ = 	snop  }
__scs_overlays_trampoline_lowered:
0x8: {  	[smem:$0x3FAC] =	sst s0  }
0x9: {  	[smem:$0x3FAD] =	sst s1  }
0xa: {  	[smem:$0x3FAE] =	sst s2  }
0xb: {  	[smem:$0x3FAF] =	sst s3  }
0xc: {  	[smem:$0x3FB0] =	sst s4  }
0xd: {  	[smem:$0x3FB1] =	sst s5  }
0xe: {  	[smem:$0x3FB2] =	sst s6  }
0xf: {  	[smem:$0x3FB3] =	sst s7  }
0x10: {  	[smem:$0x3FB4] =	sst s8  }
0x11: {  	[smem:$0x3FB5] =	sst s9;
	s0 =	simm.s32 @!p0 $0x0  }
0x12: {  	s1 =	sld [smem:$0x3F9B];
	s0 =	simm.s32 @p0 $0x1  }
0x13: {  	[smem:$0x3FB6] =	sst s0;
	s0 =	simm.s32 @!p1 $0x0  }
0x14: {  	s2 =	sld [smem:$0x3F9A];
	s0 =	simm.s32 @p1 $0x1  }
0x15: {  	[smem:$0x3FB7] =	sst s0;
	s0 =	simm.s32 @!p2 $0x0  }
0x16: {  	s3 =	sld [smem:$0x3FDB];
	s0 =	simm.s32 @p2 $0x1  }
0x17: {  	s4 =	simm.s32 $0x1BF5;
	[smem:$0x3FB9] =	sst s0  }
0x18: {  	s0 =	sld [smem:$0x3F9C];
	_ =	swait.ge [sflag:s4], $0x0  }
0x19: {  	s7 =	sld [smem:$0x3F9D]  }
0x1a: {  	s8 =	sadd.s32 $0xFFFFE003, lr  }
0x1b: {  	s9 =	sadd.s32 $0xFFFFFEF7, lr;
	s5 =	simm.s32 $0xFFFFFFFF;
	p2 =	slt.u32 s8, $0xFFFFF086  }
0x1c: {  	p1 =	slt.u32 s9, $0xF7A;
	s5 =	simm.s32 @!p2 $0x0  }
0x1d: {  	s5 =	simm.s32 @p1 $0x1;
	p0 =	seq.s32 s7, s2  }
0x1e: {  	s7 =	smul.u32 @!p0 $0xF7A, s2;
	p2 =	seq.s32 @!p0 s5, $0x0  }
0x1f: {  	s9 =	smul.u32 $0xF7A, s1;
	s8 =	simm.s32 @!p0 $0x1BF5;
	p2 =	por !p2, p0  }
0x20: {  	[sflag:s8] =	ssyncset.s32 @!p0 $0xFFFFF086;
	s6 =	sadd.s32 @!p0 s3, s7;
	s7 =	simm.s32 @!p0 $0x108  }
0x21: {  	s3 =	sadd.s32 s3, s9;
	s6 =	sadd.s32 @!p0 $0x88, s6;
	s7 =	simm.s32 @p2 $0x1082  }
0x22: {  	[simem:s7], [sflag:s8] =	dma.local @!p0 [hbm:s6], $0xF7A  }
0x23: {  	s9 =	sor.u32 $0xD0000000, s2;
	s6 =	simm.s32 $0x108;
	_ =	swait.ge @!p0 [sflag:s8], $0x0  }
0x24: {  	s3 =	sadd.s32 $0x88, s3;
	s6 =	simm.s32 @!p1 $0x1082;
	[sflag:s4] =	ssyncset.s32 $0xFFFFF086  }
0x25: {  	[simem:s6], [sflag:s4] =	dma.local [hbm:s3], $0xF7A  }
0x26: {  	[smem:$0x3F9D] =	sst s1;
	(tag) =	ssettag s2;
	_ =	strace s9  }
0x27: {  	s1 =	sld [smem:$0x3FAD]  }
0x28: {  	s2 =	sld [smem:$0x3FAE]  }
0x29: {  	s4 =	sld [smem:$0x3FB0]  }
0x2a: {  	p0 =	seq.s32 s5, $0x0;
	s5 =	sld [smem:$0x3FB1]  }
0x2b: {  	s6 =	sld [smem:$0x3FB2]  }
0x2c: {  	s7 =	sld [smem:$0x3FB3]  }
0x2d: {  	s3 =	simm.s32 $0x108;
	s8 =	sld [smem:$0x3FB4]  }
0x2e: {  	s3 =	simm.s32 @!p0 $0x1082;
	s9 =	sld [smem:$0x3FB5]  }
0x2f: {  	lr =	sadd.s32 s0, s3;
	s0 =	sld [smem:$0x3FAC]  }
0x30: {  	s3 =	sld [smem:$0x3FAF]  }
0x31: {  	[smem:$0x3FB8] =	sst s10  }
0x32: {  	s10 =	sld [smem:$0x3FB6];
	_ =	sdelay $0x3  }
0x33: {  	p0 =	seq.s32 s10, $0x1;
	s10 =	sld [smem:$0x3FB8];
	_ =	sdelay $0x3  }
0x34: {  	[smem:$0x3FB8] =	sst s10  }
0x35: {  	s10 =	sld [smem:$0x3FB7];
	_ =	sdelay $0x3  }
0x36: {  	p1 =	seq.s32 s10, $0x1;
	s10 =	sld [smem:$0x3FB8];
	_ =	sdelay $0x3  }
0x37: {  	[smem:$0x3FB8] =	sst s10  }
0x38: {  	s10 =	sld [smem:$0x3FB9]  }
0x39: {  	_ = 	snop;
	(pc) =	sbr.ind lr, $3  }
0x3a: {  	_ = 	snop  }
0x3b: {  	_ = 	snop  }
0x3c: {  	p2 =	seq.s32 s10, $0x1;
	s10 =	sld [smem:$0x3FB8]  }
0x3d: {  	_ =	shalt  }
0x3e: {  	_ =	shalt  }
0x3f: {  	_ =	shalt  }
0x40: {  	_ =	shalt  }
0x41: {  	_ =	shalt  }
0x42: {  	_ =	shalt  }
0x43: {  	_ =	shalt  }
0x44: {  	_ =	shalt  }
0x45: {  	_ =	shalt  }
0x46: {  	_ =	shalt  }
0x47: {  	_ =	shalt  }
0x48: {  	_ =	shalt  }
0x49: {  	_ =	shalt  }
0x4a: {  	_ =	shalt  }
0x4b: {  	_ =	shalt  }
0x4c: {  	_ =	shalt  }
0x4d: {  	_ =	shalt  }
0x4e: {  	_ =	shalt  }
0x4f: {  	_ =	shalt  }
0x50: {  	_ =	shalt  }
0x51: {  	_ =	shalt  }
0x52: {  	_ =	shalt  }
0x53: {  	_ =	shalt  }
0x54: {  	_ =	shalt  }
0x55: {  	_ =	shalt  }
0x56: {  	_ =	shalt  }
0x57: {  	_ =	shalt  }
0x58: {  	_ =	shalt  }
0x59: {  	_ =	shalt  }
0x5a: {  	_ =	shalt  }
0x5b: {  	_ =	shalt  }
0x5c: {  	_ =	shalt  }
0x5d: {  	_ =	shalt  }
0x5e: {  	_ =	shalt  }
0x5f: {  	_ =	shalt  }
0x60: {  	_ =	shalt  }
0x61: {  	_ =	shalt  }
0x62: {  	_ =	shalt  }
0x63: {  	_ =	shalt  }
0x64: {  	_ =	shalt  }
0x65: {  	_ =	shalt  }
0x66: {  	_ =	shalt  }
0x67: {  	_ =	shalt  }
0x68: {  	_ =	shalt  }
0x69: {  	_ =	shalt  }
0x6a: {  	_ =	shalt  }
0x6b: {  	_ =	shalt  }
0x6c: {  	_ =	shalt  }
0x6d: {  	_ =	shalt  }
0x6e: {  	_ =	shalt  }
0x6f: {  	_ =	shalt  }
0x70: {  	_ =	shalt  }
0x71: {  	_ =	shalt  }
0x72: {  	_ =	shalt  }
0x73: {  	_ =	shalt  }
0x74: {  	_ =	shalt  }
0x75: {  	_ =	shalt  }
0x76: {  	_ =	shalt  }
0x77: {  	_ =	shalt  }
0x78: {  	_ =	shalt  }
0x79: {  	_ =	shalt  }
0x7a: {  	_ =	shalt  }
0x7b: {  	_ =	shalt  }
0x7c: {  	_ =	shalt  }
0x7d: {  	_ =	shalt  }
0x7e: {  	_ =	shalt  }
0x7f: {  	_ =	shalt  }
0x80: {  	_ =	shalt  }
0x81: {  	_ =	shalt  }
0x82: {  	_ =	shalt  }
0x83: {  	_ =	shalt  }
0x84: {  	_ =	shalt  }
0x85: {  	_ =	shalt  }
0x86: {  	_ =	shalt  }
0x87: {  	_ =	shalt  }
.Lfunc_end0:
.L_simem_size_0:
called_computation_lowered:
.L_overlay_start_0:
0x88: {  	s2 =	sld [smem:$0x3FD9]  }
0x89: {  	s3 =	sld [smem:$0x3FFE];
	_ =	sdelay $0x1  }
0x8a: {  	s1 =	srdreg.scid  }
0x8b: {  	s0 =	sand.u32 $0x1, s1  }
0x8c: {  	s17 =	sshll.u32 s0, $0xA;
	s2 =	sadd.s32 s3, s2  }
0x8d: {  	s2 =	sadd.s32 s2, s17  }
0x8e: {  	[smem:$0x3FC4] =	sst s2  }
0x8f: {  	_ = 	snop  }
0x90: {  	s2 =	sld [smem:$0x3FD0];
	(tm) =	ssettm $0x1  }
0x91: {  	s18 =	sld [smem:$0x3FFB];
	_ =	sdelay $0x3  }
0x92: {  	_ =	strace s18  }
0x93: {  	s3 =	sld [smem:$0x3FFC];
	_ =	sdelay $0x3  }
0x94: {  	_ =	strace s3  }
0x95: {  	s3 =	sld [smem:$0x3FFD];
	_ =	sdelay $0x3  }
0x96: {  	_ =	strace s3  }
0x97: {  	_ =	strace $0x8FFFFFFF  }
0x98: {  	s19 =	sld [smem:$0x3FDB];
	_ =	sdelay $0x1  }
0x99: {  	s4 =	simm.s32 $_scs_section_size  }
0x9a: {  	s5 =	simm.s32 $_size__tile_overlayer_lowered;
	s6 =	simm.s32 $_tile_overlayer_lowered  }
0x9b: {  	s22 =	simm.s32 $0x1BFF;
	s21 =	sshll.u32 s6, $0x1;
	s3 =	sadd.s32 s4, s19  }
0x9c: {  	s7 =	simm.s32 $0x0;
	s20 =	sshll.u32 s5, $0x1;
	s5 =	sadd.s32 s21, s3  }
0x9d: {  	[timem:s7], [sflag:s22] =	dma.local [hbm:s5], s20  }
0x9e: {  	_ =	swait.ge [sflag:s22], s20  }
0x9f: {  	s4 =	ssub.s32 $0x0, s20;
	[sflag:s22] =	ssyncset.done $0x0  }
0xa0: {  	[sflag:s22] =	ssyncadd.s32 s4;
	_ =	sdelay $0x1  }
0xa1: {  	s23 =	simm.s32 $0x1B8B  }
0xa2: {  	_ =	swait.ge [sflag:s23], $0x1  }
0xa3: {  	[sflag:s23] =	ssyncset.done $0x0  }
0xa4: {  	s25 =	simm.s32 $0x1B8E;
	s24 =	sld [smem:$0x3FFE];
	[sflag:s23] =	ssyncadd.s32 $0xFFFFFFFF  }
0xa5: {  	s26 =	simm.s32 $execute0_lowered;
	[smem:$0x3FD2] =	sst s25  }
0xa6: {  	s5 =	sshll.u32 s26, $0x1;
	_ =	strace $0x80000046;
	[dreg:$0x1] =	wrdreg $0xFFFFFFFF  }
0xa7: {  	s28 =	simm.s32 $_size_execute0_lowered;
	s3 =	sadd.s32 s3, s5;
	[dreg:$0x0] =	wrdreg $0x0  }
0xa8: {  	s5 =	sshll.u32 s28, $0x1;
	[dreg:$0x2] =	wrdreg s3  }
0xa9: {  	[dreg:$0x3] =	wrdreg s5  }
0xaa: {  	[dreg:$0x4] =	wrdreg $0xC0  }
0xab: {  	_ =	task [dreg:s7], $0x5FFFF  }
0xac: {  	[dreg:$0x1] =	wrdreg $0xFFFFFFFF  }
0xad: {  	[dreg:$0x0] =	wrdreg $0x60  }
0xae: {  	[dreg:$0x2] =	wrdreg s24  }
0xaf: {  	[dreg:$0x3] =	wrdreg s2  }
0xb0: {  	[dreg:$0x4] =	wrdreg $0x9  }
0xb1: {  	_ =	task.clear_ibuf [dreg:s7], $0x5FFFF;
	_ =	strace $0x90000046  }
0xb2: {  	s29 =	simm.s32 $0x9;
	_ =	strace $0x80000048  }
0xb3: {  	_ =	swait.ge [sflag:s29], $0x1  }
0xb4: {  	[sflag:s29] =	ssyncadd.s32 $0xFFFFFFFF  }
0xb5: {  	_ =	strace $0x90000048  }
0xb6: {  	_ =	sfence  }
0xb7: {  	s30 =	sld [smem:$0x0];
	_ =	sdelay $0x2  }
0xb8: {  	s31 =	sshll.u32 s1, $0xD;
	s1 =	sshrl.u32 s1, $0x2  }
0xb9: {  	s3 =	sand.u32 $0x4000, s31;
	s1 =	sadd.s32 s1, s30  }
0xba: {  	s0 =	sor.u32 s3, s0;
	s1 =	sshll.u32 s1, $0x11  }
0xbb: {  	s0 =	sor.u32 s1, s0  }
0xbc: {  	s0 =	sadd.s32 $0x8F2B, s0  }
0xbd: {  	[sflag:s0] =	ssyncadd.remote.s32 $0x1  }
0xbe: {  	_ =	sfence.sel $0xFFFF  }
0xbf: {  	[dreg:$0x0] =	wrdreg $0xFFFFFFFF;
	(pc) =	sbr.abs _section_cstart, $3  }
0xc0: {  	[dreg:$0x1] =	wrdreg $0xFFFFFFFF  }
0xc1: {  	_ =	task.clear_ibuf [dreg:s7], $0x2FFFF;
	_ =	strace $0x9FFFFFFF  }
0xc2: {  	(tm) =	ssettm $0x7FFFFFFF  }
0xc3: {  	_ =	shalt  }
tec
execute0_lowered:
.L_overlay_start_1:
0x0: {  	(tag) =	ssettag $0x1  }
0x1: {  	s1 =	srdreg.scid;
	s3 =	rddreg [dreg:$0x0]  }
0x2: {  	s0 =	stileid.u32;
	s5 =	rddreg [dreg:$0x1];
	s2 =	simm.s32 $0x0  }
0x3: {  	s9 =	simm.s32 $0x9740;
	s10 =	simm.s32 $0x9940;
	s11 =	simm.s32 $0x9B40  }
0x4: {  	s12 =	simm.s32 $0x1740;
	s13 =	simm.s32 $0x2;
	s14 =	simm.s32 $0x0  }
0x5: {  	s4 =	sand.u32 $0x1, s1;
	s31 =	sshll.u32 s0, $0x1;
	s1 =	rddreg [dreg:$0x2]  }
0x6: {  	[smem:$0x7FF] =	sst s2;
	s6 =	sor.u32 s4, s31;
	s4 =	ssub.s32 $0x2, s4  }
0x7: {  	v0 =	vimm.s32 $0x52741630;
	s7 =	smul.u32 $0xC0, s6;
	s8 =	sshrl.u32 s4, $0x1;
	s6 =	sshll.u32 s6, $0xC  }
0x8: {  	v2 =	vunpack.c.l.s4.s8 v0;
	v0 =	vlaneseq.u32;
	_ =	strace $0x80000047;
	s8 =	ssub.s32 s4, s8;
	s5 =	sadd.s32 s5, s6  }
0x9: {  	v1 =	vmul.u32 $0x3, v0;
	v3 =	vor.u32 $0x10, v0;
	s7 =	sadd.s32 s7, s3;
	s3 =	sadd.s32 $0x1C00, s3;
	s6 =	smax.u32 s8, $0x1  }
0xa: {  	v4 =	vor.u32 $0x20, v0;
	v5 =	vor.u32 $0x30, v0;
	v2 =	vunpack.c.0.s8.s32 v2;
	s8 =	simm.s32 $0x1;
	s4 =	sadd.s32 $0x400, s7;
	s7 =	simm.s32 $0x600  }
.LBB2_1:
0xb: {  	[tilespmem:s2], [sflag:$0x1] =	stream.linear.gather [hbm4b:s4+s2], $0x600, $0x38;
	[tilespmem:$0x9D40] =	vst v63  }
0xc: {  	_ = 	snop  }
0xd: {  	[tilespmem:s7], [sflag:$0x1] =	stream.linear.gather [hbm4b:s3+s2], $0x1140, $0x38;
	[tilespmem:$0x9D40] =	vst v63  }
0xe: {  	s15 =	simm.s32 $0x32;
	s17 =	simm.s32 $0x30;
	_ =	swait.ge [sflag:s8], $0x600  }
0xf: {  	s16 =	simm.s32 $0x31;
	v6 =	vadd.s32 s15, v1;
	v8 =	vadd.s32 s17, v1;
	[sflag:s8] =	ssyncset.done $0x0  }
0x10: {  	v7 =	vadd.s32 s16, v1;
	v8 =	vand.u32 $0xFF8, v8;
	[sflag:s8] =	ssyncadd.s32 $0xFFFFFA00  }
0x11: {  	v9 =	vadd.s32 s2, v1;
	s17 =	simm.s32 $0x1;
	v8 =	vor.u32 v2, v8;
	_ =	swait.ge [sflag:s8], $0x1140  }
0x12: {  	v9 =	vand.u32 $0xFF8, v9;
	v10 =	vadd.s32 s17, v1;
	[sflag:s8] =	ssyncset.done $0x0  }
0x13: {  	s18 =	simm.s32 $0x2;
	s22 =	simm.s32 $0x90;
	v9 =	vor.u32 v2, v9;
	[sflag:s8] =	ssyncadd.s32 $0xFFFFEEC0  }
0x14: {  	s19 =	simm.s32 $0x60;
	s20 =	simm.s32 $0x92;
	v11 =	vadd.s32 s18, v1;
	v15 =	vadd.s32 s22, v1;
	v6 =	vld.idx.msk [tilespmem:v6+s2+$0x0], $0xffff  }
0x15: {  	v12 =	vadd.s32 s19, v1;
	v13 =	vadd.s32 s20, v1;
	v15 =	vand.u32 $0xFF8, v15;
	v7 =	vld.idx.msk [tilespmem:v7+s2+$0x0], $0xffff  }
0x16: {  	v12 =	vand.u32 $0xFF8, v12;
	v15 =	vor.u32 v2, v15;
	v8 =	vld.idx.msk [tilespmem:v8+s2+$0x0], $0xffff  }
0x17: {  	s24 =	simm.s32 $0x62;
	v12 =	vor.u32 v2, v12;
	v10 =	vld.idx.msk [tilespmem:v10+s2+$0x0], $0xffff  }
0x18: {  	v17 =	vadd.s32 s24, v1;
	v9 =	vld.idx.msk [tilespmem:v9+s2+$0x0], $0xffff  }
0x19: {  	v11 =	vld.idx.msk [tilespmem:v11+s2+$0x0], $0xffff  }
0x1a: {  	v13 =	vld.idx.msk [tilespmem:v13+s2+$0x0], $0xffff  }
0x1b: {  	v15 =	vld.idx.msk [tilespmem:v15+s2+$0x0], $0xffff  }
0x1c: {  	v22 =	vld.idx.msk [tilespmem:v12+s2+$0x0], $0xffff  }
0x1d: {  	v17 =	vld.idx.msk [tilespmem:v17+s2+$0x0], $0xffff  }
0x1e: {  	s21 =	simm.s32 $0x91;
	v6 =	vmul.f32 $2.400000000e+01, v6;
	v7 =	vmul.f32 $3.200000000e+01, v7  }
0x1f: {  	s23 =	simm.s32 $0x61;
	v14 =	vadd.s32 s21, v1;
	v8 =	vmul.f32 $1.300000000e+01, v8;
	v10 =	vmul.f32 $3.200000000e+01, v10  }
0x20: {  	s25 =	simm.s32 $0xC0;
	v16 =	vadd.s32 s23, v1;
	v9 =	vmul.f32 $1.300000000e+01, v9;
	v11 =	vmul.f32 $2.400000000e+01, v11  }
0x21: {  	s26 =	simm.s32 $0xF1;
	v18 =	vadd.s32 s25, v1;
	v13 =	vmul.f32 $2.400000000e+01, v13;
	v12 =	vmul.f32 $1.300000000e+01, v15  }
0x22: {  	s29 =	simm.s32 $0xF0;
	v20 =	vadd.s32 s26, v1;
	v62 =	vmul.f32 $1.300000000e+01, v22;
	v17 =	vmul.f32 $2.400000000e+01, v17  }
0x23: {  	s30 =	simm.s32 $0xC1;
	v21 =	vadd.s32 s29, v1;
	v6 =	vtrunc.f32 v6;
	v7 =	vtrunc.f32 v7  }
0x24: {  	s31 =	simm.s32 $0xC2;
	v61 =	vadd.s32 s30, v1;
	v14 =	vld.idx.msk [tilespmem:v14+s2+$0x0], $0xffff;
	v8 =	vtrunc.f32 v8;
	v10 =	vtrunc.f32 v10  }
0x25: {  	v24 =	vadd.s32 s31, v1;
	v9 =	vtrunc.f32 v9;
	v11 =	vtrunc.f32 v11  }
0x26: {  	v18 =	vand.u32 $0xFF8, v18;
	v13 =	vtrunc.f32 v13;
	v12 =	vtrunc.f32 v12  }
0x27: {  	v15 =	vand.u32 $0xFF8, v21;
	v6 =	vcvt.f32.s32 v6;
	v7 =	vcvt.f32.s32 v7  }
0x28: {  	s28 =	simm.s32 $0xF2;
	v15 =	vor.u32 v2, v15;
	v8 =	vcvt.f32.s32 v8;
	v10 =	vcvt.f32.s32 v10  }
0x29: {  	v19 =	vcvt.f32.s32 v11;
	v11 =	vmul.f32 $3.200000000e+01, v14;
	v14 =	vld.idx.msk [tilespmem:v16+s2+$0x0], $0xffff;
	v16 =	vadd.s32 s28, v1  }
0x2a: {  	v18 =	vor.u32 v2, v18;
	v9 =	vcvt.f32.s32 v9;
	v13 =	vcvt.f32.s32 v13  }
0x2b: {  	v12 =	vcvt.f32.s32 v12;
	v6 =	vshll.u32 v6, $0x6;
	v11 =	vtrunc.f32 v11  }
0x2c: {  	s20 =	simm.s32 $0x9750;
	v7 =	vshll.u32 v7, $0x6;
	v8 =	vshll.u32 v8, $0x6;
	v11 =	vcvt.f32.s32 v11  }
0x2d: {  	s18 =	simm.s32 $0x9950;
	v10 =	vshll.u32 v10, $0x6;
	v7 =	vadd.s32 $0x600, v7;
	[tilespmem:s20+$0x0] =	vst v6;
	v6 =	vshll.u32 v13, $0x6;
	v13 =	vld.idx.msk [tilespmem:v15+s2+$0x0], $0xffff  }
0x2e: {  	s15 =	simm.s32 $0x9770;
	v8 =	vadd.s32 $0xE00, v8;
	[tilespmem:s18+$0x0] =	vst v7;
	v23 =	vshll.u32 v11, $0x6;
	v11 =	vld.idx.msk [tilespmem:v16+s2+$0x0], $0xffff;
	v14 =	vmul.f32 $3.200000000e+01, v14  }
0x2f: {  	s19 =	simm.s32 $0x9B50;
	v15 =	vtrunc.f32 v62;
	v7 =	vshll.u32 v12, $0x6;
	v12 =	vld.idx.msk [tilespmem:v20+s2+$0x0], $0xffff;
	[tilespmem:s15+$0x0] =	vst v6;
	v6 =	vshll.u32 v9, $0x6  }
0x30: {  	s16 =	simm.s32 $0x9970;
	v9 =	vld.idx.msk [tilespmem:v18+s2+$0x0], $0xffff;
	[tilespmem:s19+$0x0] =	vst v8;
	v63 =	vadd.s32 $0xE00, v7;
	v16 =	vadd.s32 $0x600, v23;
	v7 =	vtrunc.f32 v14  }
0x31: {  	s17 =	simm.s32 $0x9B70;
	v8 =	vld.idx.msk [tilespmem:v61+s2+$0x0], $0xffff;
	[tilespmem:s16+$0x0] =	vst v16;
	v14 =	vadd.s32 $0xE00, v6;
	v16 =	vtrunc.f32 v17;
	v17 =	vshll.u32 v19, $0x6  }
0x32: {  	s22 =	simm.s32 $0x4;
	s23 =	simm.s32 $0x120;
	v6 =	vcvt.f32.s32 v7;
	v7 =	vcvt.f32.s32 v15;
	[tilespmem:s17+$0x0] =	vst v63;
	v15 =	vadd.s32 $0x600, v10;
	v10 =	vld.idx.msk [tilespmem:v24+s2+$0x0], $0xffff  }
.LBB2_2:
0x33: {  	v18 =	vadd.s32 s23, v1;
	s21 =	sadd.s32 $0x1, s23;
	s24 =	sadd.s32 $0x31, s23;
	s25 =	sadd.s32 $0x32, s23;
	v11 =	vmul.f32 $2.400000000e+01, v11;
	v19 =	vcvt.f32.s32 v16;
	[tilespmem:s20+$0xFFFFFFF0] =	vst v17  }
0x34: {  	s26 =	sadd.s32 $0x2, s23;
	s20 =	sadd.s32 $0x30, s23;
	s22 =	sadd.s32 $0x2, s22;
	v12 =	vmul.f32 $3.200000000e+01, v12;
	v16 =	vadd.s32 s24, v1;
	v17 =	vadd.s32 s25, v1;
	[tilespmem:s18+$0xFFFFFFF0] =	vst v15  }
0x35: {  	v15 =	vadd.s32 s20, v1;
	p0 =	slt.u32 s22, $0x1E;
	v13 =	vmul.f32 $1.300000000e+01, v13;
	s20 =	smov.u32 s15;
	s18 =	smov.u32 s16;
	v11 =	vtrunc.f32 v11;
	[tilespmem:s19+$0xFFFFFFF0] =	vst v14  }
0x36: {  	v14 =	vand.u32 $0xFF8, v15;
	v12 =	vtrunc.f32 v12;
	s19 =	smov.u32 s17;
	v11 =	vcvt.f32.s32 v11  }
0x37: {  	v14 =	vor.u32 v2, v14;
	v12 =	vcvt.f32.s32 v12;
	v13 =	vtrunc.f32 v13  }
0x38: {  	v15 =	vand.u32 $0xFF8, v18;
	v18 =	vadd.s32 s21, v1;
	v13 =	vcvt.f32.s32 v13  }
0x39: {  	s15 =	sadd.s32 $0x20, s15;
	s21 =	simm.s32 $0x0;
	v15 =	vor.u32 v2, v15;
	v20 =	vshll.u32 v11, $0x6;
	v12 =	vshll.u32 v12, $0x6  }
0x3a: {  	v21 =	vadd.s32 s26, v1;
	s16 =	sadd.s32 $0x20, s16;
	v13 =	vshll.u32 v13, $0x6;
	v11 =	vld.idx.msk [tilespmem:v17+s21+$0x0], $0xffff;
	[tilespmem:s15+$0x0] =	vst v20;
	v17 =	vadd.s32 $0x600, v12  }
.Ltmp0:
0x3b: {  	s17 =	sadd.s32 $0x20, s17;
	v9 =	vmul.f32 $1.300000000e+01, v9;
	v12 =	vld.idx.msk [tilespmem:v16+s21+$0x0], $0xffff;
	v16 =	vmul.f32 $3.200000000e+01, v8;
	[tilespmem:s16+$0x0] =	vst v17;
	v8 =	vadd.s32 $0xE00, v13;
	(pc) =	sbr.rel @p0 .LBB2_2-.Ltmp0, $4  }
0x3c: {  	v17 =	vmul.f32 $2.400000000e+01, v10;
	v10 =	vshll.u32 v6, $0x6;
	v6 =	vshll.u32 v7, $0x6;
	v13 =	vld.idx.msk [tilespmem:v14+s21+$0x0], $0xffff;
	[tilespmem:s17+$0x0] =	vst v8  }
0x3d: {  	v14 =	vadd.s32 $0xE00, v6;
	v8 =	vld.idx.msk [tilespmem:v18+s21+$0x0], $0xffff;
	v7 =	vtrunc.f32 v16;
	v16 =	vtrunc.f32 v9  }
0x3e: {  	v9 =	vld.idx.msk [tilespmem:v15+s21+$0x0], $0xffff;
	v6 =	vcvt.f32.s32 v7;
	v7 =	vcvt.f32.s32 v16;
	v15 =	vadd.s32 $0x600, v10  }
0x3f: {  	s23 =	sadd.s32 $0x60, s23;
	v16 =	vtrunc.f32 v17;
	v17 =	vshll.u32 v19, $0x6;
	v10 =	vld.idx.msk [tilespmem:v21+s21+$0x0], $0xffff  }
0x40: {  	v11 =	vmul.f32 $2.400000000e+01, v11  }
0x41: {  	v12 =	vmul.f32 $3.200000000e+01, v12;
	v16 =	vcvt.f32.s32 v16  }
0x42: {  	v13 =	vmul.f32 $1.300000000e+01, v13;
	v11 =	vtrunc.f32 v11  }
0x43: {  	v12 =	vtrunc.f32 v12;
	v11 =	vcvt.f32.s32 v11  }
0x44: {  	[tilespmem:s20+$0xFFFFFFF0] =	vst v17;
	v12 =	vcvt.f32.s32 v12;
	v13 =	vtrunc.f32 v13  }
0x45: {  	v6 =	vshll.u32 v6, $0x6;
	[tilespmem:s18+$0xFFFFFFF0] =	vst v15;
	v8 =	vmul.f32 $3.200000000e+01, v8;
	v13 =	vcvt.f32.s32 v13  }
0x46: {  	s28 =	sadd.s32 $0x20, s15;
	[tilespmem:s19+$0xFFFFFFF0] =	vst v14;
	v9 =	vmul.f32 $1.300000000e+01, v9;
	v11 =	vshll.u32 v11, $0x6;
	v12 =	vshll.u32 v12, $0x6  }
0x47: {  	s29 =	sadd.s32 $0x20, s16;
	v10 =	vmul.f32 $2.400000000e+01, v10;
	v12 =	vadd.s32 $0x600, v12;
	v13 =	vshll.u32 v13, $0x6;
	[tilespmem:s28+$0x0] =	vst v11  }
0x48: {  	s30 =	sadd.s32 $0x20, s17;
	v7 =	vshll.u32 v7, $0x6;
	v8 =	vtrunc.f32 v8;
	v11 =	vadd.s32 $0xE00, v13;
	[tilespmem:s29+$0x0] =	vst v12  }
0x49: {  	v9 =	vtrunc.f32 v9;
	v10 =	vtrunc.f32 v10;
	[tilespmem:s30+$0x0] =	vst v11;
	v11 =	vshll.u32 v16, $0x6  }
0x4a: {  	s31 =	simm.s32 $0x1;
	v6 =	vadd.s32 $0x600, v6;
	v8 =	vcvt.f32.s32 v8;
	v10 =	vcvt.f32.s32 v10;
	[tilespmem:s15+$0xFFFFFFF0] =	vst v11  }
0x4b: {  	v7 =	vadd.s32 $0xE00, v7;
	v9 =	vcvt.f32.s32 v9;
	[tilespmem:s16+$0xFFFFFFF0] =	vst v6;
	v6 =	vmov s31  }
0x4c: {  	[tilespmem:s17+$0xFFFFFFF0] =	vst v7;
	v7 =	vshll.u32 v8, $0x6;
	v8 =	vshll.u32 v10, $0x6  }
0x4d: {  	v9 =	vshll.u32 v9, $0x6;
	v7 =	vadd.s32 $0x600, v7;
	[tilespmem:s28+$0xFFFFFFF0] =	vst v8  }
0x4e: {  	v8 =	vadd.s32 $0xE00, v9;
	[tilespmem:s29+$0xFFFFFFF0] =	vst v7  }
0x4f: {  	p2 =	por $0x1, $0x1;
	[tilespmem:s30+$0xFFFFFFF0] =	vst v8  }
.Ltmp1:
0x50: {  	v7 =	vld.idx.msk [tilespmem:v6+s11+$0x0], $0xffff;
	(pc) =	sbr.rel @!p2 .LBB2_4-.Ltmp1, $4  }
0x51: {  	_ = 	snop  }
0x52: {  	v8 =	vmov s21  }
0x53: {  	p0 =	por $0x0, $0x0;
	v17 =	vld.idx.msk [tilespmem:v6+s9+$0x0], $0xffff;
	v8 =	vand.u32 $0xFFFFFFFE, v8  }
0x54: {  	p1 =	por $0x0, $0x0;
	s15 =	simm.s32 $0x1780;
	s16 =	simm.s32 $0x2;
	v11 =	vld.idx.msk [tilespmem:v6+s10+$0x0], $0xffff;
	v24 =	vbroadcast v8, $0x0  }
0x55: {  	_ =	sdelay $0x4  }
0x56: {  	v21 =	vld.idx.msk [tilespmem:v24+s9+$0x0], $0xffff  }
0x57: {  	v19 =	vld.idx.msk [tilespmem:v24+s10+$0x0], $0xffff;
	_ =	sdelay $0x1  }
0x58: {  	v18 =	vld.idx.msk [tilespmem:v24+s11+$0x0], $0xffff  }
0x59: {  	v6 =	vadd.s32 v0, v17  }
0x5a: {  	v8 =	vadd.s32 v0, v21  }
0x5b: {  	v9 =	vadd.s32 v0, v19  }
0x5c: {  	v10 =	vadd.s32 v0, v11  }
0x5d: {  	v12 =	vadd.s32 v0, v18  }
0x5e: {  	v13 =	vld.idx.msk [tilespmem:v6+s7+$0x0], $0xffff  }
0x5f: {  	v6 =	vadd.s32 v0, v7;
	v8 =	vld.idx.msk [tilespmem:v8+s7+$0x0], $0xffff  }
0x60: {  	v9 =	vld.idx.msk [tilespmem:v9+s7+$0x0], $0xffff  }
0x61: {  	s17 =	simm.s32 $0x3;
	v10 =	vld.idx.msk [tilespmem:v10+s7+$0x0], $0xffff  }
0x62: {  	v14 =	vmov s17;
	v12 =	vld.idx.msk [tilespmem:v12+s7+$0x0], $0xffff;
	_ =	sdelay $0x1  }
0x63: {  	v15 =	vld.idx.msk [tilespmem:v6+s7+$0x0], $0xffff  }
0x64: {  	v16 =	vadd.s32 v3, v21;
	v8 =	vadd.f32 v9, v8  }
0x65: {  	v20 =	vadd.s32 v3, v19  }
0x66: {  	v63 =	vadd.s32 v3, v17;
	v6 =	vld.idx.msk [tilespmem:v14+s11+$0x0], $0xffff;
	v13 =	vadd.f32 v10, v13;
	v8 =	vadd.f32 v12, v8  }
0x67: {  	p2 =	por $0x1, $0x1;
	v28 =	vadd.s32 v3, v18;
	v10 =	vld.idx.msk [tilespmem:v14+s10+$0x0], $0xffff  }
.Ltmp2:
0x68: {  	v9 =	vld.idx.msk [tilespmem:v14+s9+$0x0], $0xffff;
	v13 =	vadd.f32 v15, v13;
	[tilespmem:s15+$0xFFFFFFC0] =	vst v8;
	(pc) =	sbr.rel @!p2 .LBB2_6-.Ltmp2, $4  }
0x69: {  	v23 =	vld.idx.msk [tilespmem:v16+s7+$0x0], $0xffff  }
0x6a: {  	v8 =	vmov s16;
	[tilespmem:s15+$0x0] =	vst v13;
	v25 =	vld.idx.msk [tilespmem:v20+s7+$0x0], $0xffff  }
0x6b: {  	v8 =	vand.u32 $0xFFFFFFFE, v8;
	v22 =	vld.idx.msk [tilespmem:v63+s7+$0x0], $0xffff  }
0x6c: {  	v27 =	vadd.s32 v3, v7;
	p0 =	por $0x1, $0x1;
	v26 =	vadd.s32 v3, v11;
	s16 =	simm.s32 $0x4;
	v28 =	vld.idx.msk [tilespmem:v28+s7+$0x0], $0xffff;
	v24 =	vbroadcast v8, $0x0  }
0x6d: {  	_ =	sdelay $0x3  }
0x6e: {  	v8 =	vld.idx.msk [tilespmem:v26+s7+$0x0], $0xffff;
	v12 =	vadd.s32 v0, v9  }
0x6f: {  	v13 =	vld.idx.msk [tilespmem:v27+s7+$0x0], $0xffff;
	v20 =	vadd.s32 v4, v21;
	v16 =	vadd.f32 v25, v23  }
0x70: {  	v15 =	vld.idx.msk [tilespmem:v24+s10+$0x0], $0xffff;
	v23 =	vadd.s32 v4, v19  }
0x71: {  	v14 =	vld.idx.msk [tilespmem:v24+s9+$0x0], $0xffff;
	v25 =	vadd.s32 v0, v10;
	v26 =	vadd.f32 v28, v16  }
0x72: {  	v16 =	vld.idx.msk [tilespmem:v24+s11+$0x0], $0xffff;
	v24 =	vadd.s32 v4, v18  }
0x73: {  	v8 =	vadd.f32 v8, v22;
	v12 =	vld.idx.msk [tilespmem:v12+s7+$0x0], $0xffff;
	v22 =	vadd.s32 v4, v17;
	[tilespmem:s15+$0xFFFFFFD0] =	vst v26  }
0x74: {  	v26 =	vadd.s32 v4, v11;
	v20 =	vld.idx.msk [tilespmem:v20+s7+$0x0], $0xffff  }
0x75: {  	v27 =	vadd.s32 v0, v15;
	v8 =	vadd.f32 v13, v8;
	v23 =	vld.idx.msk [tilespmem:v23+s7+$0x0], $0xffff  }
0x76: {  	v13 =	vadd.s32 v0, v14;
	v25 =	vld.idx.msk [tilespmem:v25+s7+$0x0], $0xffff  }
0x77: {  	[tilespmem:s15+$0x10] =	vst v8;
	v8 =	vld.idx.msk [tilespmem:v24+s7+$0x0], $0xffff;
	v24 =	vadd.s32 v4, v7  }
0x78: {  	v28 =	vadd.s32 v0, v16;
	v22 =	vld.idx.msk [tilespmem:v22+s7+$0x0], $0xffff  }
0x79: {  	s17 =	simm.s32 $0x5;
	v29 =	vadd.s32 v0, v6;
	v26 =	vld.idx.msk [tilespmem:v26+s7+$0x0], $0xffff  }
0x7a: {  	v30 =	vmov s17;
	v27 =	vld.idx.msk [tilespmem:v27+s7+$0x0], $0xffff  }
0x7b: {  	v13 =	vld.idx.msk [tilespmem:v13+s7+$0x0], $0xffff  }
0x7c: {  	v21 =	vadd.s32 v5, v21;
	v20 =	vadd.f32 v23, v20;
	v23 =	vld.idx.msk [tilespmem:v24+s7+$0x0], $0xffff  }
0x7d: {  	v19 =	vadd.s32 v5, v19;
	v24 =	vld.idx.msk [tilespmem:v28+s7+$0x0], $0xffff  }
0x7e: {  	v8 =	vadd.f32 v8, v20;
	v20 =	vld.idx.msk [tilespmem:v29+s7+$0x0], $0xffff;
	v28 =	vadd.s32 v5, v18  }
0x7f: {  	v18 =	vld.idx.msk [tilespmem:v30+s11+$0x0], $0xffff  }
0x80: {  	v17 =	vadd.s32 v5, v17;
	[tilespmem:s15+$0xFFFFFFE0] =	vst v8;
	v22 =	vadd.f32 v26, v22;
	v8 =	vld.idx.msk [tilespmem:v30+s9+$0x0], $0xffff  }
0x81: {  	v26 =	vadd.s32 v3, v14;
	v21 =	vld.idx.msk [tilespmem:v21+s7+$0x0], $0xffff;
	v13 =	vadd.f32 v27, v13  }
0x82: {  	v19 =	vld.idx.msk [tilespmem:v19+s7+$0x0], $0xffff;
	v27 =	vadd.s32 v3, v15;
	v22 =	vadd.f32 v23, v22  }
0x83: {  	v23 =	vadd.f32 v25, v12;
	v13 =	vadd.f32 v24, v13;
	v24 =	vadd.s32 v3, v9;
	v31 =	vld.idx.msk [tilespmem:v28+s7+$0x0], $0xffff  }
0x84: {  	s17 =	simm.s32 $0x1800;
	v12 =	vld.idx.msk [tilespmem:v30+s10+$0x0], $0xffff;
	[tilespmem:s15+$0x20] =	vst v22  }
0x85: {  	p2 =	por $0x1, $0x1;
	v28 =	vadd.s32 v3, v16;
	v20 =	vadd.f32 v20, v23;
	[tilespmem:s17+$0xFFFFFFC0] =	vst v13;
	v13 =	vld.idx.msk [tilespmem:v17+s7+$0x0], $0xffff  }
.Ltmp3:
0x86: {  	v23 =	vld.idx.msk [tilespmem:v26+s7+$0x0], $0xffff;
	v17 =	vmov s16;
	v26 =	vadd.s32 v3, v10;
	(pc) =	sbr.rel @!p2 .LBB2_8-.Ltmp3, $3  }
0x87: {  	v25 =	vld.idx.msk [tilespmem:v27+s7+$0x0], $0xffff;
	v27 =	vadd.s32 v3, v6;
	[tilespmem:s17+$0x0] =	vst v20;
	v17 =	vand.u32 $0xFFFFFFFE, v17  }
0x88: {  	v29 =	vadd.s32 v5, v11;
	v19 =	vadd.f32 v19, v21;
	v22 =	vld.idx.msk [tilespmem:v24+s7+$0x0], $0xffff;
	v24 =	vbroadcast v17, $0x0;
	_ =	sdelay $0x1  }
0x89: {  	s18 =	simm.s32 $0x6;
	p1 =	por $0x1, $0x1;
	s16 =	simm.s32 $0x1780;
	v28 =	vld.idx.msk [tilespmem:v28+s7+$0x0], $0xffff;
	v20 =	vadd.f32 v31, v19  }
.LBB2_9:
0x8a: {  	p2 =	slt.u32 s18, $0x1FE;
	v11 =	vld.idx.msk [tilespmem:v26+s7+$0x0], $0xffff;
	v17 =	vadd.s32 v5, v7;
	v7 =	vmovc v6;
	v6 =	vmov v18;
	v19 =	vmov v12  }
0x8b: {  	v12 =	vld.idx.msk [tilespmem:v27+s7+$0x0], $0xffff;
	[tilespmem:s16+$0xFFFFFFF0] =	vst v20  }
0x8c: {  	v18 =	vadd.s32 v0, v8;
	v20 =	vld.idx.msk [tilespmem:v29+s7+$0x0], $0xffff  }
0x8d: {  	v23 =	vadd.f32 v25, v23;
	v25 =	vadd.s32 v4, v14;
	v21 =	vld.idx.msk [tilespmem:v24+s9+$0x0], $0xffff  }
0x8e: {  	v27 =	vadd.s32 v4, v15;
	v26 =	vld.idx.msk [tilespmem:v24+s10+$0x0], $0xffff  }
0x8f: {  	v29 =	vadd.s32 v0, v19;
	v23 =	vadd.f32 v28, v23;
	v17 =	vld.idx.msk [tilespmem:v17+s7+$0x0], $0xffff  }
0x90: {  	v28 =	vadd.s32 v4, v16;
	v11 =	vadd.f32 v11, v22;
	v24 =	vld.idx.msk [tilespmem:v24+s11+$0x0], $0xffff  }
0x91: {  	v22 =	vld.idx.msk [tilespmem:v18+s7+$0x0], $0xffff;
	[tilespmem:s17+$0xFFFFFFD0] =	vst v23;
	v18 =	vadd.s32 v4, v9  }
0x92: {  	v11 =	vadd.f32 v12, v11;
	v12 =	vadd.s32 v4, v10;
	v13 =	vadd.f32 v20, v13;
	v23 =	vld.idx.msk [tilespmem:v25+s7+$0x0], $0xffff  }
0x93: {  	v20 =	vadd.s32 v0, v21;
	v25 =	vld.idx.msk [tilespmem:v27+s7+$0x0], $0xffff  }
0x94: {  	v27 =	vadd.s32 v0, v26;
	v29 =	vld.idx.msk [tilespmem:v29+s7+$0x0], $0xffff;
	[tilespmem:s17+$0x10] =	vst v11  }
0x95: {  	v13 =	vadd.f32 v17, v13;
	v11 =	vld.idx.msk [tilespmem:v28+s7+$0x0], $0xffff;
	v28 =	vadd.s32 v4, v7  }
0x96: {  	v17 =	vadd.s32 v0, v24;
	v30 =	vld.idx.msk [tilespmem:v18+s7+$0x0], $0xffff  }
0x97: {  	s19 =	sadd.s32 $0x1, s18;
	v18 =	vadd.s32 v0, v6;
	v12 =	vld.idx.msk [tilespmem:v12+s7+$0x0], $0xffff;
	[tilespmem:s16+$0x30] =	vst v13;
	s16 =	smov.u32 s17  }
0x98: {  	v13 =	vmov s19;
	v20 =	vld.idx.msk [tilespmem:v20+s7+$0x0], $0xffff  }
0x99: {  	v23 =	vadd.f32 v25, v23;
	v25 =	vadd.s32 v5, v14;
	v14 =	vmov v21;
	v27 =	vld.idx.msk [tilespmem:v27+s7+$0x0], $0xffff  }
0x9a: {  	v21 =	vadd.s32 v5, v15;
	v15 =	vmov v26;
	v28 =	vld.idx.msk [tilespmem:v28+s7+$0x0], $0xffff  }
0x9b: {  	v11 =	vadd.f32 v11, v23;
	v17 =	vld.idx.msk [tilespmem:v17+s7+$0x0], $0xffff  }
0x9c: {  	v26 =	vadd.s32 v5, v16;
	v16 =	vmov v24;
	v23 =	vld.idx.msk [tilespmem:v18+s7+$0x0], $0xffff  }
0x9d: {  	v18 =	vld.idx.msk [tilespmem:v13+s11+$0x0], $0xffff;
	[tilespmem:s17+$0xFFFFFFE0] =	vst v11;
	v11 =	vadd.f32 v12, v30  }
0x9e: {  	v24 =	vadd.s32 v5, v9;
	v9 =	vmov v8;
	v30 =	vld.idx.msk [tilespmem:v25+s7+$0x0], $0xffff  }
0x9f: {  	v12 =	vadd.f32 v27, v20;
	v20 =	vadd.s32 v3, v14;
	v21 =	vld.idx.msk [tilespmem:v21+s7+$0x0], $0xffff  }
0xa0: {  	v22 =	vadd.f32 v29, v22;
	v25 =	vadd.s32 v3, v15;
	v11 =	vadd.f32 v28, v11;
	v8 =	vld.idx.msk [tilespmem:v13+s9+$0x0], $0xffff  }
0xa1: {  	v28 =	vadd.s32 v3, v9;
	v17 =	vadd.f32 v17, v12;
	v31 =	vld.idx.msk [tilespmem:v26+s7+$0x0], $0xffff  }
0xa2: {  	v32 =	vadd.s32 v3, v16;
	s17 =	sadd.s32 $0x80, s17;
	v22 =	vadd.f32 v23, v22;
	v12 =	vld.idx.msk [tilespmem:v13+s10+$0x0], $0xffff;
	[tilespmem:s16+$0x20] =	vst v11  }
.Ltmp4:
0xa3: {  	v26 =	vadd.s32 v3, v19;
	v11 =	vmov s18;
	[tilespmem:s17+$0xFFFFFFC0] =	vst v17;
	v13 =	vld.idx.msk [tilespmem:v24+s7+$0x0], $0xffff;
	(pc) =	sbr.rel @p2 .LBB2_9-.Ltmp4, $4  }
0xa4: {  	v27 =	vadd.s32 v3, v6;
	v11 =	vand.u32 $0xFFFFFFFE, v11;
	v23 =	vld.idx.msk [tilespmem:v20+s7+$0x0], $0xffff;
	[tilespmem:s17+$0x0] =	vst v22  }
0xa5: {  	v29 =	vadd.s32 v5, v10;
	v10 =	vmovc v19;
	v24 =	vbroadcast v11, $0x0;
	v11 =	vadd.f32 v21, v30;
	v25 =	vld.idx.msk [tilespmem:v25+s7+$0x0], $0xffff  }
0xa6: {  	v22 =	vld.idx.msk [tilespmem:v28+s7+$0x0], $0xffff  }
0xa7: {  	s18 =	sadd.s32 $0x2, s18;
	v20 =	vadd.f32 v31, v11;
	v28 =	vld.idx.msk [tilespmem:v32+s7+$0x0], $0xffff  }
0xa8: {  	v30 =	vmov v7;
	v7 =	vmov v6;
	v6 =	vmov v18  }
0xa9: {  	v21 =	vmovc v14;
	v19 =	vmovc v15;
	v18 =	vmov v16;
	v17 =	vmov v9;
	v11 =	vmov v10  }
.LBB2_11:
0xaa: {  	_ =	sdelay $0x3  }
0xab: {  	v9 =	vld.idx.msk [tilespmem:v24+s9+$0x0], $0xffff  }
0xac: {  	v10 =	vld.idx.msk [tilespmem:v24+s10+$0x0], $0xffff  }
0xad: {  	v15 =	vadd.s32 v0, v8  }
0xae: {  	v14 =	vld.idx.msk [tilespmem:v24+s11+$0x0], $0xffff;
	v31 =	vadd.s32 v0, v12  }
0xaf: {  	v33 =	vadd.s32 v0, v6  }
0xb0: {  	v16 =	vadd.s32 v0, v9  }
0xb1: {  	v42 =	vadd.s32 v0, v10  }
0xb2: {  	v15 =	vld.idx.msk [tilespmem:v15+s7+$0x0], $0xffff  }
0xb3: {  	v32 =	vadd.s32 v0, v14;
	v31 =	vld.idx.msk [tilespmem:v31+s7+$0x0], $0xffff  }
0xb4: {  	v33 =	vld.idx.msk [tilespmem:v33+s7+$0x0], $0xffff  }
0xb5: {  	v16 =	vld.idx.msk [tilespmem:v16+s7+$0x0], $0xffff  }
0xb6: {  	v24 =	vld.idx.msk [tilespmem:v42+s7+$0x0], $0xffff  }
0xb7: {  	v23 =	vadd.f32 @p0 v25, v23;
	v25 =	vadd.s32 @p0 v4, v21  }
0xb8: {  	v45 =	vadd.s32 v3, v8;
	v32 =	vld.idx.msk [tilespmem:v32+s7+$0x0], $0xffff;
	v15 =	vadd.f32 v31, v15  }
0xb9: {  	v26 =	vld.idx.msk @p0 [tilespmem:v26+s7+$0x0], $0xffff;
	v48 =	vadd.s32 v3, v6;
	v23 =	vadd.f32 @p0 v28, v23  }
0xba: {  	v27 =	vld.idx.msk @p0 [tilespmem:v27+s7+$0x0], $0xffff;
	s18 =	sadd.s32 @p0 $0x80, s17;
	v47 =	vadd.s32 v3, v12;
	v15 =	vadd.f32 v33, v15  }
0xbb: {  	v29 =	vld.idx.msk @p1 [tilespmem:v29+s7+$0x0], $0xffff;
	s15 =	smov.u32 @p0 s18;
	[tilespmem:s17+$0xFFFFFFD0] =	vst @p0 v23;
	v43 =	vadd.s32 v3, v9;
	v16 =	vadd.f32 v24, v16  }
0xbc: {  	v44 =	vadd.s32 v3, v10;
	v25 =	vld.idx.msk @p0 [tilespmem:v25+s7+$0x0], $0xffff;
	[tilespmem:s15+$0x0] =	vst v15  }
0xbd: {  	v46 =	vadd.s32 v3, v14;
	v31 =	vld.idx.msk [tilespmem:v45+s7+$0x0], $0xffff;
	v16 =	vadd.f32 v32, v16  }
0xbe: {  	v15 =	vld.idx.msk [tilespmem:v48+s7+$0x0], $0xffff;
	v32 =	vadd.s32 @p0 v4, v19  }
0xbf: {  	v30 =	vadd.s32 @p1 v5, v30;
	[tilespmem:s15+$0xFFFFFFC0] =	vst v16;
	v16 =	vld.idx.msk [tilespmem:v47+s7+$0x0], $0xffff  }
0xc0: {  	v22 =	vadd.f32 @p0 v26, v22;
	v26 =	vadd.s32 @p0 v4, v17;
	v24 =	vld.idx.msk [tilespmem:v43+s7+$0x0], $0xffff  }
0xc1: {  	v34 =	vadd.s32 @p0 v4, v11;
	v28 =	vld.idx.msk [tilespmem:v44+s7+$0x0], $0xffff  }
0xc2: {  	v22 =	vadd.f32 @p0 v27, v22;
	v33 =	vadd.s32 @p0 v4, v18;
	v23 =	vld.idx.msk [tilespmem:v46+s7+$0x0], $0xffff  }
0xc3: {  	v27 =	vld.idx.msk @p0 [tilespmem:v32+s7+$0x0], $0xffff;
	v32 =	vadd.s32 @p0 v4, v7  }
0xc4: {  	v52 =	vadd.s32 v4, v8;
	v30 =	vld.idx.msk @p1 [tilespmem:v30+s7+$0x0], $0xffff;
	[tilespmem:s17+$0x10] =	vst @p0 v22;
	v16 =	vadd.f32 v16, v31  }
0xc5: {  	v53 =	vadd.s32 v4, v12;
	v26 =	vld.idx.msk @p0 [tilespmem:v26+s7+$0x0], $0xffff  }
0xc6: {  	v56 =	vadd.s32 v4, v6;
	v34 =	vld.idx.msk @p0 [tilespmem:v34+s7+$0x0], $0xffff;
	v24 =	vadd.f32 v28, v24;
	v15 =	vadd.f32 v15, v16  }
0xc7: {  	v49 =	vadd.s32 v4, v9;
	v50 =	vadd.s32 v4, v10;
	v22 =	vld.idx.msk @p0 [tilespmem:v33+s7+$0x0], $0xffff  }
0xc8: {  	v23 =	vadd.f32 v23, v24;
	v25 =	vadd.f32 @p0 v27, v25;
	v27 =	vld.idx.msk @p0 [tilespmem:v32+s7+$0x0], $0xffff;
	[tilespmem:s15+$0x10] =	vst v15  }
0xc9: {  	v51 =	vadd.s32 v4, v14;
	v58 =	vld.idx.msk [tilespmem:v52+s7+$0x0], $0xffff  }
0xca: {  	v16 =	vadd.s32 @p0 v5, v21;
	[tilespmem:s15+$0xFFFFFFD0] =	vst v23;
	v23 =	vld.idx.msk [tilespmem:v53+s7+$0x0], $0xffff  }
0xcb: {  	v18 =	vadd.s32 @p0 v5, v18;
	v59 =	vld.idx.msk [tilespmem:v56+s7+$0x0], $0xffff  }
0xcc: {  	v15 =	vadd.s32 @p0 v5, v19;
	v22 =	vadd.f32 @p0 v22, v25;
	v54 =	vld.idx.msk [tilespmem:v49+s7+$0x0], $0xffff  }
0xcd: {  	v11 =	vadd.s32 @p0 v5, v11;
	v17 =	vadd.s32 @p0 v5, v17;
	v24 =	vadd.f32 @p0 v34, v26;
	v55 =	vld.idx.msk [tilespmem:v50+s7+$0x0], $0xffff  }
0xce: {  	v11 =	vpsel p0, v11, v0;
	v7 =	vpsel p0, v7, v0;
	v57 =	vld.idx.msk [tilespmem:v51+s7+$0x0], $0xffff;
	[tilespmem:s17+$0xFFFFFFE0] =	vst @p0 v22  }
0xcf: {  	v7 =	vadd.s32 @p0 v5, v7;
	v16 =	vld.idx.msk @p0 [tilespmem:v16+s7+$0x0], $0xffff;
	v24 =	vadd.f32 @p0 v27, v24  }
0xd0: {  	v61 =	vadd.s32 v5, v8;
	v18 =	vld.idx.msk @p0 [tilespmem:v18+s7+$0x0], $0xffff;
	v60 =	vadd.f32 v23, v58  }
0xd1: {  	v62 =	vadd.s32 v5, v12;
	v15 =	vld.idx.msk @p0 [tilespmem:v15+s7+$0x0], $0xffff;
	[tilespmem:s17+$0x20] =	vst @p0 v24  }
0xd2: {  	v9 =	vadd.s32 v5, v9;
	v21 =	vadd.f32 v55, v54;
	v17 =	vld.idx.msk @p0 [tilespmem:v17+s7+$0x0], $0xffff;
	v63 =	vadd.f32 v59, v60  }
0xd3: {  	v10 =	vadd.s32 v5, v10;
	v11 =	vld.idx.msk @p0 [tilespmem:v11+s7+$0x0], $0xffff  }
0xd4: {  	v6 =	vadd.s32 v5, v6;
	v7 =	vld.idx.msk @p0 [tilespmem:v7+s7+$0x0], $0xffff;
	v19 =	vadd.f32 v57, v21;
	[tilespmem:s15+$0x20] =	vst v63  }
0xd5: {  	v14 =	vadd.s32 v5, v14;
	v8 =	vld.idx.msk [tilespmem:v61+s7+$0x0], $0xffff  }
0xd6: {  	[tilespmem:s15+$0xFFFFFFE0] =	vst v19;
	v12 =	vld.idx.msk [tilespmem:v62+s7+$0x0], $0xffff  }
0xd7: {  	v9 =	vld.idx.msk [tilespmem:v9+s7+$0x0], $0xffff  }
0xd8: {  	v10 =	vld.idx.msk [tilespmem:v10+s7+$0x0], $0xffff  }
0xd9: {  	v13 =	vadd.f32 @p1 v29, v13;
	v15 =	vadd.f32 @p0 v15, v16;
	v6 =	vld.idx.msk [tilespmem:v6+s7+$0x0], $0xffff;
	v16 =	vpsel p0, v17, v0  }
0xda: {  	v14 =	vld.idx.msk [tilespmem:v14+s7+$0x0], $0xffff;
	v11 =	vadd.f32 @p0 v11, v16  }
0xdb: {  	v13 =	vadd.f32 @p1 v30, v13;
	v15 =	vadd.f32 @p0 v18, v15  }
0xdc: {  	[tilespmem:s16+$0xFFFFFFF0] =	vst @p1 v20;
	v7 =	vadd.f32 @p0 v7, v11;
	v8 =	vadd.f32 v12, v8  }
0xdd: {  	[tilespmem:s16+$0x30] =	vst @p1 v13;
	s16 =	smov.u32 @p0 s17;
	v9 =	vadd.f32 v10, v9  }
0xde: {  	v10 =	vpsel p0, v15, v0;
	[tilespmem:s16+$0x30] =	vst @p0 v7;
	v6 =	vadd.f32 v6, v8  }
0xdf: {  	[tilespmem:s16+$0xFFFFFFF0] =	vst @p0 v10;
	v9 =	vadd.f32 v14, v9  }
0xe0: {  	s14 =	sadd.s32 $0x1, s14;
	[tilespmem:s15+$0x30] =	vst v6  }
0xe1: {  	p0 =	sne.s32 s14, s6;
	[tilespmem:s15+$0xFFFFFFF0] =	vst v9  }
0xe2: {  	[hbm4b:s5+s2] =	stream.linear.scatter [tilespmem:s12], [sflag:$0x2], $0x8000, $0x38;
	[tilespmem:$0x9D40] =	vst v63  }
.Ltmp5:
0xe3: {  	_ = 	snop;
	(pc) =	sbr.rel @p0 .LBB2_1-.Ltmp5, $4  }
.Ltmp6:
0xe4: {  	_ = 	snop;
	(pc) =	sbr.rel @!p0 .LBB2_12-.Ltmp6, $4  }
0xe5: {  	_ =	swait.ge [sflag:s13], $0x8000  }
0xe6: {  	[sflag:s13] =	ssyncset.done $0x0  }
0xe7: {  	[sflag:s13] =	ssyncadd.s32 $0xFFFF8000  }
0xe8: {  	_ = 	snop  }
.LBB2_4:
.Ltmp7:
0xe9: {  	_ = 	snop;
	(pc) =	sbr.rel .LBB2_11-.Ltmp7, $2  }
0xea: {  	_ =	sdelay $0x2  }
0xeb: {  	v6 =	vmov v7;
	s17 =	simm.s32 $0x1780;
	v8 =	vmov v17;
	v12 =	vmov v11  }
.LBB2_6:
.Ltmp8:
0xec: {  	(pc) =	sbr.rel .LBB2_11-.Ltmp8, $2  }
0xed: {  	_ =	sdelay $0x2  }
0xee: {  	v12 =	vmov v10;
	v8 =	vmov v9;
	s17 =	simm.s32 $0x1780  }
.LBB2_8:
.Ltmp9:
0xef: {  	(pc) =	sbr.rel .LBB2_11-.Ltmp9, $3  }
0xf0: {  	_ =	sdelay $0x1  }
0xf1: {  	v30 =	vmov v7;
	v7 =	vmov v6;
	v6 =	vmov v18  }
0xf2: {  	s16 =	simm.s32 $0x1780;
	v21 =	vmovc v14;
	v19 =	vmovc v15;
	v18 =	vmov v16;
	v17 =	vmov v9;
	v11 =	vmov v10  }
.LBB2_12:
0xf3: {  	_ =	sfence.sel $0x180000  }
0xf4: {  	[bflag:$0x0] =	sbarrier.arrive $0xFFFF  }
0xf5: {  	p0 =	sne.s32 s0, $0x0;
	_ =	strace $0x90000047  }
0xf6: {  	s0 =	sadd.s32 @!p0 $0x100000, s1;
	[bflag:$0x2] =	sbarrier.arrive $0xFFFF  }
0xf7: {  	[sflag:s0] =	ssyncadd.tile.s32 @!p0 $0x1;
	_ =	shalt  }
.Lfunc_end2:
_tile_overlayer_lowered:
.L_overlay_start_2:
0xf8: {  	(tag) =	ssettag $0x2  }
0xf9: {  	s0 =	rddreg [dreg:$0x0];
	s2 =	stileid.u32  }
0xfa: {  	s1 =	rddreg [dreg:$0x1];
	p0 =	sne.s32 s2, $0x0  }
0xfb: {  	s3 =	rddreg [dreg:$0x2];
	[bflag:$0x3] =	sbarrier.arrive $0xFFFF;
	s2 =	simm.s32 @!p0 $0x1C02  }
0xfc: {  	[timem:s3], [sflag:s2] =	dma.local @!p0 [hbm:s0], s1  }
0xfd: {  	s0 =	simm.s32 @!p0 $0x2  }
0xfe: {  	_ =	swait.ge @!p0 [sflag:s0], s1  }
0xff: {  	s1 =	ssub.s32 @!p0 $0x0, s1;
	[sflag:s0] =	ssyncset.done @!p0 $0x0  }
0x100: {  	[sflag:s0] =	ssyncadd.s32 @!p0 s1  }
0x101: {  	[bflag:$0x3] =	sbarrier.arrive $0xFFFF  }
0x102: {  	_ =	shalt  }

</sc_bundles>
